<compile_context>
chip_gen: v7x
topology: tpu7x:2x2x1
jax: 0.10.2.dev20260603
libtpu: 0.0.44.dev20260713+nightly
codegen_flags: <defaults>
</compile_context>

<pallas_src>
import functools

import jax
import jax.numpy as jnp
from jax import lax
from jax.experimental import pallas as pl
from jax.experimental.pallas import tpu as pltpu
from jax.experimental.pallas import tpu_sc as plsc

E = 8
TOP_K = 2
D = 1024
F = 2048
TILE = 256
NT = (E * TOP_K * TILE + 0) // TILE

S_TOK = 2048
NT = (S_TOK * TOP_K) // TILE + E
NP = NT * TILE


def _router_body(logits_ref, pcat_ref, wcat_ref, te_ref, valid_ref):
    logits = logits_ref[...]
    n_tok = logits.shape[0]
    lane_i = lax.broadcasted_iota(jnp.int32, (n_tok, E), 1)
    lane_f = lane_i.astype(jnp.float32)
    composite = -logits + lane_f * 1e-06
    big = jnp.int32(E)
    c1 = jnp.min(composite, axis=-1, keepdims=True)
    i1 = jnp.min(jnp.where(composite == c1, lane_i, big), axis=-1,
                 keepdims=True)
    masked = jnp.where(lane_i == i1, jnp.inf, composite)
    c2 = jnp.min(masked, axis=-1, keepdims=True)
    i2 = jnp.min(jnp.where(masked == c2, lane_i, big), axis=-1,
                 keepdims=True)
    oh1 = (lane_i == i1).astype(jnp.float32)
    oh2 = (lane_i == i2).astype(jnp.float32)
    v1 = jnp.sum(oh1 * logits, axis=-1, keepdims=True)
    v2 = jnp.sum(oh2 * logits, axis=-1, keepdims=True)
    m = jnp.maximum(v1, v2)
    e1x = jnp.exp(v1 - m)
    e2x = jnp.exp(v2 - m)
    s = e1x + e2x
    w1 = e1x / s
    w2 = e2x / s

    r_i = lax.broadcasted_iota(jnp.int32, (n_tok, n_tok), 0)
    c_i = lax.broadcasted_iota(jnp.int32, (n_tok, n_tok), 1)
    ltri = (r_i > c_i).astype(jnp.bfloat16)
    oh16 = jnp.concatenate([oh1, oh2], axis=1).astype(jnp.bfloat16)
    prefix = lax.dot_general(ltri, oh16, (((1,), (0,)), ((), ())),
                             preferred_element_type=jnp.float32)
    cnt1 = jnp.sum(oh1, axis=0, keepdims=True)
    cnt2 = jnp.sum(oh2, axis=0, keepdims=True)
    counts = cnt1 + cnt2
    ntiles = jnp.floor((counts + (TILE - 1)) * (1.0 / TILE))
    er = lax.broadcasted_iota(jnp.int32, (E, E), 0)
    ec = lax.broadcasted_iota(jnp.int32, (E, E), 1)
    sltri8 = (er < ec).astype(jnp.bfloat16)
    tile_ofs = lax.dot_general(ntiles.astype(jnp.bfloat16), sltri8,
                               (((1,), (0,)), ((), ())),
                               preferred_element_type=jnp.float32)
    cum8 = tile_ofs + ntiles
    pofs = tile_ofs * float(TILE)

    rank0 = jnp.sum(oh1 * prefix[:, :E], axis=-1, keepdims=True)
    rank1 = jnp.sum(oh2 * (prefix[:, E:] + cnt1), axis=-1, keepdims=True)
    base0 = jnp.sum(oh1 * pofs, axis=-1, keepdims=True)
    base1 = jnp.sum(oh2 * pofs, axis=-1, keepdims=True)
    pos0 = (base0 + rank0).astype(jnp.int32)
    pos1 = (base1 + rank1).astype(jnp.int32)

    pcat_ref[0:n_tok, :] = pos0
    pcat_ref[n_tok:, :] = pos1
    wcat_ref[0:n_tok, :] = w1
    wcat_ref[n_tok:, :] = w2

    j_i = lax.broadcasted_iota(jnp.int32, (NT, E), 0)
    cum8_i = cum8.astype(jnp.int32)
    te = jnp.sum((j_i >= cum8_i).astype(jnp.int32), axis=-1, keepdims=True)
    te_ref[...] = jnp.minimum(te, E - 1)
    total = cum8_i[:, E - 1:E]
    jj = lax.broadcasted_iota(jnp.int32, (NT, 1), 0)
    valid_ref[...] = (jj < total).astype(jnp.int32)


def _router(logits):
    return pl.pallas_call(
        _router_body,
        out_shape=[
            jax.ShapeDtypeStruct((S_TOK * TOP_K, 1), jnp.int32),
            jax.ShapeDtypeStruct((S_TOK * TOP_K, 1), jnp.float32),
            jax.ShapeDtypeStruct((NT, 1), jnp.int32),
            jax.ShapeDtypeStruct((NT, 1), jnp.int32),
        ],
        compiler_params=pltpu.CompilerParams(
            vmem_limit_bytes=64 * 1024 * 1024),
    )(logits)


def _expert_mlp_body(e_ref, v_ref, x_ref, wg_ref, wu_ref, wd_ref, o_ref):
    i = pl.program_id(0)

    @pl.when(v_ref[i] == 1)
    def _():
        x = x_ref[...]
        wg = wg_ref[0].astype(jnp.bfloat16)
        g = lax.dot_general(x, wg, (((1,), (1,)), ((), ())),
                            preferred_element_type=jnp.float32)
        wu = wu_ref[0].astype(jnp.bfloat16)
        u = lax.dot_general(x, wu, (((1,), (1,)), ((), ())),
                            preferred_element_type=jnp.float32)
        h = g * jax.nn.sigmoid(g) * u
        wd = wd_ref[0].astype(jnp.bfloat16)
        out = lax.dot_general(h.astype(jnp.bfloat16), wd,
                              (((1,), (1,)), ((), ())),
                              preferred_element_type=jnp.float32)
        o_ref[...] = out


def _grouped_mlp(x_sorted, Wg, Wu, Wd, tile_expert, valid):
    grid_spec = pltpu.PrefetchScalarGridSpec(
        num_scalar_prefetch=2,
        grid=(NT,),
        in_specs=[
            pl.BlockSpec((TILE, D), lambda i, e, v: (i, 0)),
            pl.BlockSpec((1, F, D), lambda i, e, v: (e[i], 0, 0)),
            pl.BlockSpec((1, F, D), lambda i, e, v: (e[i], 0, 0)),
            pl.BlockSpec((1, D, F), lambda i, e, v: (e[i], 0, 0)),
        ],
        out_specs=pl.BlockSpec((TILE, D), lambda i, e, v: (i, 0)),
    )
    return pl.pallas_call(
        _expert_mlp_body,
        grid_spec=grid_spec,
        out_shape=jax.ShapeDtypeStruct((NP, D), jnp.float32),
        compiler_params=pltpu.CompilerParams(
            vmem_limit_bytes=64 * 1024 * 1024),
    )(tile_expert, valid, x_sorted, Wg, Wu, Wd)


def kernel(hidden_states, gate_w, Wg, Wu, Wd, step_num):
    b, s, d = hidden_states.shape
    x = hidden_states.reshape(-1, d)

    router_logits = x @ gate_w.T
    pcat2, wcat2, te2, valid2 = _router(router_logits)
    pcat = pcat2.reshape(-1)
    tile_expert = te2.reshape(-1)
    valid = valid2.reshape(-1)

    x_bf = x.astype(jnp.bfloat16)
    x2 = jnp.concatenate([x_bf, x_bf], axis=0)
    x_sorted = jnp.zeros((NP, D), jnp.bfloat16).at[pcat].set(x2)
    out_sorted = _grouped_mlp(x_sorted, Wg, Wu, Wd, tile_expert, valid)
    rows = out_sorted[pcat] * wcat2
    final = rows[:S_TOK] + rows[S_TOK:]
    return final.reshape(b, s, d)

# --- scband reference (transcript-rebuilt; emitter-appended) ---
"""Pipeline reference for scband-mo-emlp-36481452212931 (READ-ONLY COPY).

The authoritative reference and input builder live on the scoring server;
editing this copy changes nothing except your own understanding.
"""

import jax, jax.numpy as jnp
import numpy as np

E = 8
TOP_K = 2
D_MODEL = 1024
EXPERT_DIM = 2048
B, S = 1, 2048


def deterministic_topk(logits, k):
    # Mirrors the torch deterministic_topk: composite key = -x + idx*eps,
    # take k smallest -> values gathered from original logits.
    n = logits.shape[-1]
    idx = jnp.arange(n, dtype=jnp.float32)
    composite = -logits.astype(jnp.float32) + idx * 1e-06
    # k smallest of composite == k largest of -composite
    _, topk_idx = jax.lax.top_k(-composite, k)
    topk_vals = jnp.take_along_axis(logits, topk_idx, axis=-1)
    return topk_vals, topk_idx


def setup_inputs(seed: int = 0) -> dict:
    key = jax.random.key(seed)
    k0, k1, k2, k3, k4 = jax.random.split(key, 5)
    hidden_states = jax.random.normal(k0, (B, S, D_MODEL), dtype=jnp.float32)
    gate_w = jax.random.normal(k1, (E, D_MODEL), dtype=jnp.float32) * 0.02
    Wg = jax.random.normal(k2, (E, EXPERT_DIM, D_MODEL), dtype=jnp.float32) * 0.02
    Wu = jax.random.normal(k3, (E, EXPERT_DIM, D_MODEL), dtype=jnp.float32) * 0.02
    Wd = jax.random.normal(k4, (E, D_MODEL, EXPERT_DIM), dtype=jnp.float32) * 0.02
    return {"hidden_states": hidden_states, "gate_w": gate_w, "Wg": Wg, "Wu": Wu, "Wd": Wd, "step_num": 0}


def reference(hidden_states, gate_w, Wg, Wu, Wd, step_num):
    b, s, d = hidden_states.shape
    x = hidden_states.reshape(-1, d)
    router_logits = x @ gate_w.T
    routing_vals, selected_experts = deterministic_topk(router_logits, TOP_K)
    routing_weights = jax.nn.softmax(routing_vals.astype(jnp.float32), axis=-1)
    final = jnp.zeros_like(x)
    for e in range(E):
        # per-token combined weight for expert e (zero if not selected)
        w_e = jnp.sum(routing_weights * (selected_experts == e).astype(jnp.float32), axis=-1)
        g = x @ Wg[e].T
        u = x @ Wu[e].T
        h = jax.nn.silu(g) * u
        out = h @ Wd[e].T
        final = final + w_e[:, None] * out
    return final.reshape(b, s, d)

if __name__ == "__main__":
    import jax
    _d = setup_inputs()
    print(jax.jit(kernel)(*tuple(_d.values())))

</pallas_src>

<mosaic_0001>
module attributes {stable_mosaic.version = 14 : i64} {
  func.func @_router_body(%arg0: memref<2048x8xf32, #tpu.memory_space<vmem>>, %arg1: memref<4096x1xi32, #tpu.memory_space<vmem>>, %arg2: memref<4096x1xf32, #tpu.memory_space<vmem>>, %arg3: memref<24x1xi32, #tpu.memory_space<vmem>>, %arg4: memref<24x1xi32, #tpu.memory_space<vmem>>) attributes {dimension_semantics = [], scalar_prefetch = 0 : i64, scratch_operands = 0 : i64, tpu.core_type = #tpu.core_type<tc>} {
    %get3A = arith.constant 0 : index
    %get3A_0 = arith.constant 0 : index
    %get3A_1 = vector.load %arg0[%get3A, %get3A_0] : memref<2048x8xf32, #tpu.memory_space<vmem>>, vector<2048x8xf32>
    %iota3A = tpu.iota {dimensions = array<i32: 1>} : vector<2048x8xi32>
    %convert_element_type3A = arith.sitofp %iota3A : vector<2048x8xi32> to vector<2048x8xf32>
    %neg3A = arith.constant 0.000000e+00 : f32
    %neg3A_2 = vector.broadcast %neg3A : f32 to vector<2048x8xf32>
    %neg3A_3 = arith.subf %neg3A_2, %get3A_1 : vector<2048x8xf32>
    %mul3A = arith.constant 9.99999997E-7 : f32
    %mul3A_4 = vector.broadcast %mul3A : f32 to vector<2048x8xf32>
    %mul3A_5 = arith.mulf %convert_element_type3A, %mul3A_4 : vector<2048x8xf32>
    %add3A = arith.addf %neg3A_3, %mul3A_5 : vector<2048x8xf32>
    %reduce_min3A = arith.constant dense<0x7F800000> : vector<2048xf32>
    %reduce_min3A_6 = vector.multi_reduction <minimumf>, %add3A, %reduce_min3A [1] : vector<2048x8xf32> to vector<2048xf32>
    %broadcast_in_dim3A = vector.shape_cast %reduce_min3A_6 : vector<2048xf32> to vector<2048x1xf32>
    %eq3A = vector.broadcast %broadcast_in_dim3A : vector<2048x1xf32> to vector<2048x8xf32>
    %eq3A_7 = arith.cmpf oeq, %add3A, %eq3A : vector<2048x8xf32>
    %jit3A = arith.constant 8 : i32
    %broadcast_in_dim3A_8 = vector.broadcast %jit3A : i32 to vector<2048x8xi32>
    %select_n3A = arith.select %eq3A_7, %iota3A, %broadcast_in_dim3A_8 : vector<2048x8xi1>, vector<2048x8xi32>
    %reduce_min3A_9 = arith.constant dense<2147483647> : vector<2048xi32>
    %reduce_min3A_10 = vector.multi_reduction <minsi>, %select_n3A, %reduce_min3A_9 [1] : vector<2048x8xi32> to vector<2048xi32>
    %broadcast_in_dim3A_11 = vector.shape_cast %reduce_min3A_10 : vector<2048xi32> to vector<2048x1xi32>
    %eq3A_12 = vector.broadcast %broadcast_in_dim3A_11 : vector<2048x1xi32> to vector<2048x8xi32>
    %eq3A_13 = arith.cmpi eq, %iota3A, %eq3A_12 : vector<2048x8xi32>
    %jit3A_14 = arith.constant 0x7F800000 : f32
    %broadcast_in_dim3A_15 = vector.broadcast %jit3A_14 : f32 to vector<2048x8xf32>
    %select_n3A_16 = arith.select %eq3A_13, %broadcast_in_dim3A_15, %add3A : vector<2048x8xi1>, vector<2048x8xf32>
    %reduce_min3A_17 = arith.constant dense<0x7F800000> : vector<2048xf32>
    %reduce_min3A_18 = vector.multi_reduction <minimumf>, %select_n3A_16, %reduce_min3A_17 [1] : vector<2048x8xf32> to vector<2048xf32>
    %broadcast_in_dim3A_19 = vector.shape_cast %reduce_min3A_18 : vector<2048xf32> to vector<2048x1xf32>
    %eq3A_20 = vector.broadcast %broadcast_in_dim3A_19 : vector<2048x1xf32> to vector<2048x8xf32>
    %eq3A_21 = arith.cmpf oeq, %select_n3A_16, %eq3A_20 : vector<2048x8xf32>
    %jit3A_22 = arith.constant 8 : i32
    %broadcast_in_dim3A_23 = vector.broadcast %jit3A_22 : i32 to vector<2048x8xi32>
    %select_n3A_24 = arith.select %eq3A_21, %iota3A, %broadcast_in_dim3A_23 : vector<2048x8xi1>, vector<2048x8xi32>
    %reduce_min3A_25 = arith.constant dense<2147483647> : vector<2048xi32>
    %reduce_min3A_26 = vector.multi_reduction <minsi>, %select_n3A_24, %reduce_min3A_25 [1] : vector<2048x8xi32> to vector<2048xi32>
    %broadcast_in_dim3A_27 = vector.shape_cast %reduce_min3A_26 : vector<2048xi32> to vector<2048x1xi32>
    %eq3A_28 = vector.broadcast %broadcast_in_dim3A_11 : vector<2048x1xi32> to vector<2048x8xi32>
    %eq3A_29 = arith.cmpi eq, %iota3A, %eq3A_28 : vector<2048x8xi32>
    %convert_element_type3A_30 = arith.extui %eq3A_29 : vector<2048x8xi1> to vector<2048x8xi32>
    %convert_element_type3A_31 = arith.sitofp %convert_element_type3A_30 : vector<2048x8xi32> to vector<2048x8xf32>
    %eq3A_32 = vector.broadcast %broadcast_in_dim3A_27 : vector<2048x1xi32> to vector<2048x8xi32>
    %eq3A_33 = arith.cmpi eq, %iota3A, %eq3A_32 : vector<2048x8xi32>
    %convert_element_type3A_34 = arith.extui %eq3A_33 : vector<2048x8xi1> to vector<2048x8xi32>
    %convert_element_type3A_35 = arith.sitofp %convert_element_type3A_34 : vector<2048x8xi32> to vector<2048x8xf32>
    %mul3A_36 = arith.mulf %convert_element_type3A_31, %get3A_1 : vector<2048x8xf32>
    %reduce_sum3A = arith.constant dense<0.000000e+00> : vector<2048xf32>
    %reduce_sum3A_37 = vector.multi_reduction <add>, %mul3A_36, %reduce_sum3A [1] : vector<2048x8xf32> to vector<2048xf32>
    %broadcast_in_dim3A_38 = vector.shape_cast %reduce_sum3A_37 : vector<2048xf32> to vector<2048x1xf32>
    %mul3A_39 = arith.mulf %convert_element_type3A_35, %get3A_1 : vector<2048x8xf32>
    %reduce_sum3A_40 = arith.constant dense<0.000000e+00> : vector<2048xf32>
    %reduce_sum3A_41 = vector.multi_reduction <add>, %mul3A_39, %reduce_sum3A_40 [1] : vector<2048x8xf32> to vector<2048xf32>
    %broadcast_in_dim3A_42 = vector.shape_cast %reduce_sum3A_41 : vector<2048xf32> to vector<2048x1xf32>
    %max3A = arith.maximumf %broadcast_in_dim3A_38, %broadcast_in_dim3A_42 : vector<2048x1xf32>
    %sub3A = arith.subf %broadcast_in_dim3A_38, %max3A : vector<2048x1xf32>
    %exp3A = math.exp %sub3A : vector<2048x1xf32>
    %sub3A_43 = arith.subf %broadcast_in_dim3A_42, %max3A : vector<2048x1xf32>
    %exp3A_44 = math.exp %sub3A_43 : vector<2048x1xf32>
    %add3A_45 = arith.addf %exp3A, %exp3A_44 : vector<2048x1xf32>
    %div3A = arith.divf %exp3A, %add3A_45 : vector<2048x1xf32>
    %div3A_46 = arith.divf %exp3A_44, %add3A_45 : vector<2048x1xf32>
    %iota3A_47 = tpu.iota {dimensions = array<i32: 0>} : vector<2048x2048xi32>
    %iota3A_48 = tpu.iota {dimensions = array<i32: 1>} : vector<2048x2048xi32>
    %gt3A = arith.cmpi sgt, %iota3A_47, %iota3A_48 : vector<2048x2048xi32>
    %convert_element_type3A_49 = arith.extui %gt3A : vector<2048x2048xi1> to vector<2048x2048xi32>
    %convert_element_type3A_50 = arith.sitofp %convert_element_type3A_49 : vector<2048x2048xi32> to vector<2048x2048xf32>
    %convert_element_type3A_51 = arith.truncf %convert_element_type3A_50 : vector<2048x2048xf32> to vector<2048x2048xbf16>
    %concatenate3A = tpu.concatenate %convert_element_type3A_31, %convert_element_type3A_35 in 1 : vector<2048x8xf32>, vector<2048x8xf32> -> vector<2048x16xf32>
    %convert_element_type3A_52 = arith.truncf %concatenate3A : vector<2048x16xf32> to vector<2048x16xbf16>
    %dot_general3A = arith.constant dense<0.000000e+00> : vector<2048x16xf32>
    %dot_general3A_53 = tpu.matmul %convert_element_type3A_51, %convert_element_type3A_52, %dot_general3A {dimension_numbers = #tpu.dot_dimension_numbers<[1], [0], [0], [1], [0, 0, 1, 1], [], []>, transpose_lhs_hint = false} : vector<2048x2048xbf16>, vector<2048x16xbf16>, vector<2048x16xf32> -> vector<2048x16xf32>
    %reduce_sum3A_54 = arith.constant dense<0.000000e+00> : vector<8xf32>
    %reduce_sum3A_55 = vector.multi_reduction <add>, %convert_element_type3A_31, %reduce_sum3A_54 [0] : vector<2048x8xf32> to vector<8xf32>
    %broadcast_in_dim3A_56 = vector.shape_cast %reduce_sum3A_55 : vector<8xf32> to vector<1x8xf32>
    %reduce_sum3A_57 = arith.constant dense<0.000000e+00> : vector<8xf32>
    %reduce_sum3A_58 = vector.multi_reduction <add>, %convert_element_type3A_35, %reduce_sum3A_57 [0] : vector<2048x8xf32> to vector<8xf32>
    %broadcast_in_dim3A_59 = vector.shape_cast %reduce_sum3A_58 : vector<8xf32> to vector<1x8xf32>
    %add3A_60 = arith.addf %broadcast_in_dim3A_56, %broadcast_in_dim3A_59 : vector<1x8xf32>
    %add3A_61 = arith.constant 2.550000e+02 : f32
    %add3A_62 = vector.broadcast %add3A_61 : f32 to vector<1x8xf32>
    %add3A_63 = arith.addf %add3A_60, %add3A_62 : vector<1x8xf32>
    %mul3A_64 = arith.constant 3.906250e-03 : f32
    %mul3A_65 = vector.broadcast %mul3A_64 : f32 to vector<1x8xf32>
    %mul3A_66 = arith.mulf %add3A_63, %mul3A_65 : vector<1x8xf32>
    %floor3A = math.floor %mul3A_66 : vector<1x8xf32>
    %iota3A_67 = tpu.iota {dimensions = array<i32: 0>} : vector<8x8xi32>
    %iota3A_68 = tpu.iota {dimensions = array<i32: 1>} : vector<8x8xi32>
    %lt3A = arith.cmpi slt, %iota3A_67, %iota3A_68 : vector<8x8xi32>
    %convert_element_type3A_69 = arith.extui %lt3A : vector<8x8xi1> to vector<8x8xi32>
    %convert_element_type3A_70 = arith.sitofp %convert_element_type3A_69 : vector<8x8xi32> to vector<8x8xf32>
    %convert_element_type3A_71 = arith.truncf %convert_element_type3A_70 : vector<8x8xf32> to vector<8x8xbf16>
    %convert_element_type3A_72 = arith.truncf %floor3A : vector<1x8xf32> to vector<1x8xbf16>
    %dot_general3A_73 = arith.constant dense<0.000000e+00> : vector<1x8xf32>
    %dot_general3A_74 = tpu.matmul %convert_element_type3A_72, %convert_element_type3A_71, %dot_general3A_73 {dimension_numbers = #tpu.dot_dimension_numbers<[1], [0], [0], [1], [0, 0, 1, 1], [], []>, transpose_lhs_hint = false} : vector<1x8xbf16>, vector<8x8xbf16>, vector<1x8xf32> -> vector<1x8xf32>
    %add3A_75 = arith.addf %dot_general3A_74, %floor3A : vector<1x8xf32>
    %mul3A_76 = arith.constant 2.560000e+02 : f32
    %mul3A_77 = vector.broadcast %mul3A_76 : f32 to vector<1x8xf32>
    %mul3A_78 = arith.mulf %dot_general3A_74, %mul3A_77 : vector<1x8xf32>
    %slice3A = vector.extract_strided_slice %dot_general3A_53 {offsets = [0, 0], sizes = [2048, 8], strides = [1, 1]} : vector<2048x16xf32> to vector<2048x8xf32>
    %mul3A_79 = arith.mulf %convert_element_type3A_31, %slice3A : vector<2048x8xf32>
    %reduce_sum3A_80 = arith.constant dense<0.000000e+00> : vector<2048xf32>
    %reduce_sum3A_81 = vector.multi_reduction <add>, %mul3A_79, %reduce_sum3A_80 [1] : vector<2048x8xf32> to vector<2048xf32>
    %broadcast_in_dim3A_82 = vector.shape_cast %reduce_sum3A_81 : vector<2048xf32> to vector<2048x1xf32>
    %slice3A_83 = vector.extract_strided_slice %dot_general3A_53 {offsets = [0, 8], sizes = [2048, 8], strides = [1, 1]} : vector<2048x16xf32> to vector<2048x8xf32>
    %add3A_84 = vector.broadcast %broadcast_in_dim3A_56 : vector<1x8xf32> to vector<2048x8xf32>
    %add3A_85 = arith.addf %slice3A_83, %add3A_84 : vector<2048x8xf32>
    %mul3A_86 = arith.mulf %convert_element_type3A_35, %add3A_85 : vector<2048x8xf32>
    %reduce_sum3A_87 = arith.constant dense<0.000000e+00> : vector<2048xf32>
    %reduce_sum3A_88 = vector.multi_reduction <add>, %mul3A_86, %reduce_sum3A_87 [1] : vector<2048x8xf32> to vector<2048xf32>
    %broadcast_in_dim3A_89 = vector.shape_cast %reduce_sum3A_88 : vector<2048xf32> to vector<2048x1xf32>
    %mul3A_90 = vector.broadcast %mul3A_78 : vector<1x8xf32> to vector<2048x8xf32>
    %mul3A_91 = arith.mulf %convert_element_type3A_31, %mul3A_90 : vector<2048x8xf32>
    %reduce_sum3A_92 = arith.constant dense<0.000000e+00> : vector<2048xf32>
    %reduce_sum3A_93 = vector.multi_reduction <add>, %mul3A_91, %reduce_sum3A_92 [1] : vector<2048x8xf32> to vector<2048xf32>
    %broadcast_in_dim3A_94 = vector.shape_cast %reduce_sum3A_93 : vector<2048xf32> to vector<2048x1xf32>
    %mul3A_95 = vector.broadcast %mul3A_78 : vector<1x8xf32> to vector<2048x8xf32>
    %mul3A_96 = arith.mulf %convert_element_type3A_35, %mul3A_95 : vector<2048x8xf32>
    %reduce_sum3A_97 = arith.constant dense<0.000000e+00> : vector<2048xf32>
    %reduce_sum3A_98 = vector.multi_reduction <add>, %mul3A_96, %reduce_sum3A_97 [1] : vector<2048x8xf32> to vector<2048xf32>
    %broadcast_in_dim3A_99 = vector.shape_cast %reduce_sum3A_98 : vector<2048xf32> to vector<2048x1xf32>
    %add3A_100 = arith.addf %broadcast_in_dim3A_94, %broadcast_in_dim3A_82 : vector<2048x1xf32>
    %convert_element_type3A_101 = arith.fptosi %add3A_100 : vector<2048x1xf32> to vector<2048x1xi32>
    %add3A_102 = arith.addf %broadcast_in_dim3A_99, %broadcast_in_dim3A_89 : vector<2048x1xf32>
    %convert_element_type3A_103 = arith.fptosi %add3A_102 : vector<2048x1xf32> to vector<2048x1xi32>
    %swap3A = arith.constant 0 : index
    %swap3A_104 = arith.constant 0 : index
    %swap3A_105 = vector.load %arg1[%swap3A, %swap3A_104] : memref<4096x1xi32, #tpu.memory_space<vmem>>, vector<2048x1xi32>
    tpu.vector_store %arg1[%swap3A, %swap3A_104], %convert_element_type3A_101 {strides = array<i32>} : memref<4096x1xi32, #tpu.memory_space<vmem>>, vector<2048x1xi32>,
    %swap3A_106 = arith.constant 2048 : index
    %swap3A_107 = arith.constant 0 : index
    %swap3A_108 = vector.load %arg1[%swap3A_106, %swap3A_107] : memref<4096x1xi32, #tpu.memory_space<vmem>>, vector<2048x1xi32>
    tpu.vector_store %arg1[%swap3A_106, %swap3A_107], %convert_element_type3A_103 {strides = array<i32>} : memref<4096x1xi32, #tpu.memory_space<vmem>>, vector<2048x1xi32>,
    %swap3A_109 = arith.constant 0 : index
    %swap3A_110 = arith.constant 0 : index
    %swap3A_111 = vector.load %arg2[%swap3A_109, %swap3A_110] : memref<4096x1xf32, #tpu.memory_space<vmem>>, vector<2048x1xf32>
    tpu.vector_store %arg2[%swap3A_109, %swap3A_110], %div3A {strides = array<i32>} : memref<4096x1xf32, #tpu.memory_space<vmem>>, vector<2048x1xf32>,
    %swap3A_112 = arith.constant 2048 : index
    %swap3A_113 = arith.constant 0 : index
    %swap3A_114 = vector.load %arg2[%swap3A_112, %swap3A_113] : memref<4096x1xf32, #tpu.memory_space<vmem>>, vector<2048x1xf32>
    tpu.vector_store %arg2[%swap3A_112, %swap3A_113], %div3A_46 {strides = array<i32>} : memref<4096x1xf32, #tpu.memory_space<vmem>>, vector<2048x1xf32>,
    %iota3A_115 = tpu.iota {dimensions = array<i32: 0>} : vector<24x8xi32>
    %convert_element_type3A_116 = arith.fptosi %add3A_75 : vector<1x8xf32> to vector<1x8xi32>
    %ge3A = vector.broadcast %convert_element_type3A_116 : vector<1x8xi32> to vector<24x8xi32>
    %ge3A_117 = arith.cmpi sge, %iota3A_115, %ge3A : vector<24x8xi32>
    %convert_element_type3A_118 = arith.extui %ge3A_117 : vector<24x8xi1> to vector<24x8xi32>
    %reduce_sum3A_119 = arith.constant dense<0> : vector<24xi32>
    %reduce_sum3A_120 = vector.multi_reduction <add>, %convert_element_type3A_118, %reduce_sum3A_119 [1] : vector<24x8xi32> to vector<24xi32>
    %broadcast_in_dim3A_121 = vector.shape_cast %reduce_sum3A_120 : vector<24xi32> to vector<24x1xi32>
    %min3A = arith.constant 7 : i32
    %min3A_122 = vector.broadcast %min3A : i32 to vector<24x1xi32>
    %min3A_123 = arith.minsi %broadcast_in_dim3A_121, %min3A_122 : vector<24x1xi32>
    %swap3A_124 = arith.constant 0 : index
    %swap3A_125 = arith.constant 0 : index
    %swap3A_126 = vector.load %arg3[%swap3A_124, %swap3A_125] : memref<24x1xi32, #tpu.memory_space<vmem>>, vector<24x1xi32>
    tpu.vector_store %arg3[%swap3A_124, %swap3A_125], %min3A_123 {strides = array<i32>} : memref<24x1xi32, #tpu.memory_space<vmem>>, vector<24x1xi32>,
    %slice3A_127 = vector.extract_strided_slice %convert_element_type3A_116 {offsets = [0, 7], sizes = [1, 1], strides = [1, 1]} : vector<1x8xi32> to vector<1x1xi32>
    %iota3A_128 = tpu.iota {dimensions = array<i32: 0>} : vector<24x1xi32>
    %lt3A_129 = vector.broadcast %slice3A_127 : vector<1x1xi32> to vector<24x1xi32>
    %lt3A_130 = arith.cmpi slt, %iota3A_128, %lt3A_129 : vector<24x1xi32>
    %convert_element_type3A_131 = arith.extui %lt3A_130 : vector<24x1xi1> to vector<24x1xi32>
    %swap3A_132 = arith.constant 0 : index
    %swap3A_133 = arith.constant 0 : index
    %swap3A_134 = vector.load %arg4[%swap3A_132, %swap3A_133] : memref<24x1xi32, #tpu.memory_space<vmem>>, vector<24x1xi32>
    tpu.vector_store %arg4[%swap3A_132, %swap3A_133], %convert_element_type3A_131 {strides = array<i32>} : memref<24x1xi32, #tpu.memory_space<vmem>>, vector<24x1xi32>,
    return
  }
}

module attributes {stable_mosaic.version = 14 : i64} {
  func.func @_expert_mlp_body(%arg0: i32, %arg1: memref<24xi32, #tpu.memory_space<smem>>, %arg2: memref<24xi32, #tpu.memory_space<smem>>, %arg3: memref<256x1024xbf16, #tpu.memory_space<vmem>>, %arg4: memref<1x2048x1024xf32, #tpu.memory_space<vmem>>, %arg5: memref<1x2048x1024xf32, #tpu.memory_space<vmem>>, %arg6: memref<1x1024x2048xf32, #tpu.memory_space<vmem>>, %arg7: memref<256x1024xf32, #tpu.memory_space<vmem>>) attributes {dimension_semantics = [#tpu.dimension_semantics<arbitrary>], iteration_bounds = array<i64: 24>, scalar_prefetch = 2 : i64, scratch_operands = 0 : i64, tpu.core_type = #tpu.core_type<tc>, window_params = [{transform_indices = @transform_0, window_bounds = array<i64: 256, 1024>}, {transform_indices = @transform_1, window_bounds = array<i64: 1, 2048, 1024>}, {transform_indices = @transform_2, window_bounds = array<i64: 1, 2048, 1024>}, {transform_indices = @transform_3, window_bounds = array<i64: 1, 1024, 2048>}, {transform_indices = @transform_4, window_bounds = array<i64: 256, 1024>}]} {
    %get3A = arith.index_cast %arg0 : i32 to index
    %get3A_0 = memref.load %arg2[%get3A] : memref<24xi32, #tpu.memory_space<smem>>
    %eq3A = arith.constant 1 : i32
    %eq3A_1 = arith.cmpi eq, %get3A_0, %eq3A : i32
    %convert_element_type3A = arith.extui %eq3A_1 : i1 to i32
    %cond3A = arith.constant 0 : i32
    %cond3A_2 = arith.cmpi ne, %convert_element_type3A, %cond3A : i32
    scf.if %cond3A_2 {
      %get3A_3 = arith.constant 0 : index
      %get3A_4 = arith.constant 0 : index
      %get3A_5 = vector.load %arg3[%get3A_3, %get3A_4] : memref<256x1024xbf16, #tpu.memory_space<vmem>>, vector<256x1024xbf16>
      %get3A_6 = arith.constant 0 : index
      %get3A_7 = arith.constant 0 : index
      %get3A_8 = arith.constant 0 : index
      %get3A_9 = vector.load %arg4[%get3A_6, %get3A_7, %get3A_8] : memref<1x2048x1024xf32, #tpu.memory_space<vmem>>, vector<1x2048x1024xf32>
      %get3A_10 = vector.shape_cast %get3A_9 : vector<1x2048x1024xf32> to vector<2048x1024xf32>
      %convert_element_type3A_11 = arith.truncf %get3A_10 : vector<2048x1024xf32> to vector<2048x1024xbf16>
      %dot_general3A = arith.constant dense<0.000000e+00> : vector<256x2048xf32>
      %dot_general3A_12 = tpu.matmul %get3A_5, %convert_element_type3A_11, %dot_general3A {dimension_numbers = #tpu.dot_dimension_numbers<[1], [1], [0], [0], [0, 0, 1, 0], [], []>, transpose_lhs_hint = false} : vector<256x1024xbf16>, vector<2048x1024xbf16>, vector<256x2048xf32> -> vector<256x2048xf32>
      %get3A_13 = arith.constant 0 : index
      %get3A_14 = arith.constant 0 : index
      %get3A_15 = arith.constant 0 : index
      %get3A_16 = vector.load %arg5[%get3A_13, %get3A_14, %get3A_15] : memref<1x2048x1024xf32, #tpu.memory_space<vmem>>, vector<1x2048x1024xf32>
      %get3A_17 = vector.shape_cast %get3A_16 : vector<1x2048x1024xf32> to vector<2048x1024xf32>
      %convert_element_type3A_18 = arith.truncf %get3A_17 : vector<2048x1024xf32> to vector<2048x1024xbf16>
      %dot_general3A_19 = arith.constant dense<0.000000e+00> : vector<256x2048xf32>
      %dot_general3A_20 = tpu.matmul %get3A_5, %convert_element_type3A_18, %dot_general3A_19 {dimension_numbers = #tpu.dot_dimension_numbers<[1], [1], [0], [0], [0, 0, 1, 0], [], []>, transpose_lhs_hint = false} : vector<256x1024xbf16>, vector<2048x1024xbf16>, vector<256x2048xf32> -> vector<256x2048xf32>
      %logistic3A = arith.negf %dot_general3A_12 : vector<256x2048xf32>
      %logistic3A_21 = math.exp %logistic3A : vector<256x2048xf32>
      %logistic3A_22 = arith.constant 1.000000e+00 : f32
      %logistic3A_23 = vector.broadcast %logistic3A_22 : f32 to vector<256x2048xf32>
      %logistic3A_24 = arith.addf %logistic3A_23, %logistic3A_21 : vector<256x2048xf32>
      %logistic3A_25 = arith.divf %logistic3A_23, %logistic3A_24 : vector<256x2048xf32>
      %mul3A = arith.mulf %dot_general3A_12, %logistic3A_25 : vector<256x2048xf32>
      %mul3A_26 = arith.mulf %mul3A, %dot_general3A_20 : vector<256x2048xf32>
      %get3A_27 = arith.constant 0 : index
      %get3A_28 = arith.constant 0 : index
      %get3A_29 = arith.constant 0 : index
      %get3A_30 = vector.load %arg6[%get3A_27, %get3A_28, %get3A_29] : memref<1x1024x2048xf32, #tpu.memory_space<vmem>>, vector<1x1024x2048xf32>
      %get3A_31 = vector.shape_cast %get3A_30 : vector<1x1024x2048xf32> to vector<1024x2048xf32>
      %convert_element_type3A_32 = arith.truncf %get3A_31 : vector<1024x2048xf32> to vector<1024x2048xbf16>
      %convert_element_type3A_33 = arith.truncf %mul3A_26 : vector<256x2048xf32> to vector<256x2048xbf16>
      %dot_general3A_34 = arith.constant dense<0.000000e+00> : vector<256x1024xf32>
      %dot_general3A_35 = tpu.matmul %convert_element_type3A_33, %convert_element_type3A_32, %dot_general3A_34 {dimension_numbers = #tpu.dot_dimension_numbers<[1], [1], [0], [0], [0, 0, 1, 0], [], []>, transpose_lhs_hint = false} : vector<256x2048xbf16>, vector<1024x2048xbf16>, vector<256x1024xf32> -> vector<256x1024xf32>
      %swap3A = arith.constant 0 : index
      %swap3A_36 = arith.constant 0 : index
      %swap3A_37 = vector.load %arg7[%swap3A, %swap3A_36] : memref<256x1024xf32, #tpu.memory_space<vmem>>, vector<256x1024xf32>
      tpu.vector_store %arg7[%swap3A, %swap3A_36], %dot_general3A_35 {strides = array<i32>} : memref<256x1024xf32, #tpu.memory_space<vmem>>, vector<256x1024xf32>,
    } else {
    }
    return
  }
  func.func @transform_0(%arg0: i32, %arg1: memref<24xi32, #tpu.memory_space<smem>>, %arg2: memref<24xi32, #tpu.memory_space<smem>>) -> (i32, i32) {
    %c0_i32 = arith.constant 0 : i32
    %c0_i32_0 = arith.constant 0 : i32
    return %arg0, %c0_i32 : i32, i32
  }
  func.func @transform_1(%arg0: i32, %arg1: memref<24xi32, #tpu.memory_space<smem>>, %arg2: memref<24xi32, #tpu.memory_space<smem>>) -> (i32, i32, i32) {
    %get3A = arith.index_cast %arg0 : i32 to index
    %get3A_0 = memref.load %arg1[%get3A] : memref<24xi32, #tpu.memory_space<smem>>
    %c0_i32 = arith.constant 0 : i32
    %c0_i32_1 = arith.constant 0 : i32
    %c0_i32_2 = arith.constant 0 : i32
    return %get3A_0, %c0_i32, %c0_i32_1 : i32, i32, i32
  }
  func.func @transform_2(%arg0: i32, %arg1: memref<24xi32, #tpu.memory_space<smem>>, %arg2: memref<24xi32, #tpu.memory_space<smem>>) -> (i32, i32, i32) {
    %get3A = arith.index_cast %arg0 : i32 to index
    %get3A_0 = memref.load %arg1[%get3A] : memref<24xi32, #tpu.memory_space<smem>>
    %c0_i32 = arith.constant 0 : i32
    %c0_i32_1 = arith.constant 0 : i32
    %c0_i32_2 = arith.constant 0 : i32
    return %get3A_0, %c0_i32, %c0_i32_1 : i32, i32, i32
  }
  func.func @transform_3(%arg0: i32, %arg1: memref<24xi32, #tpu.memory_space<smem>>, %arg2: memref<24xi32, #tpu.memory_space<smem>>) -> (i32, i32, i32) {
    %get3A = arith.index_cast %arg0 : i32 to index
    %get3A_0 = memref.load %arg1[%get3A] : memref<24xi32, #tpu.memory_space<smem>>
    %c0_i32 = arith.constant 0 : i32
    %c0_i32_1 = arith.constant 0 : i32
    %c0_i32_2 = arith.constant 0 : i32
    return %get3A_0, %c0_i32, %c0_i32_1 : i32, i32, i32
  }
  func.func @transform_4(%arg0: i32, %arg1: memref<24xi32, #tpu.memory_space<smem>>, %arg2: memref<24xi32, #tpu.memory_space<smem>>) -> (i32, i32) {
    %c0_i32 = arith.constant 0 : i32
    %c0_i32_0 = arith.constant 0 : i32
    return %arg0, %c0_i32 : i32, i32
  }
}

</mosaic_0001>

<sc_bundles>
// kernel: gather_offload_async_start
scs
__scs_entry_jumppad:
0x0: {  	(pc) =	sbr.rel $0x88, $3  }
0x1: {  	(tag) =	ssettag $0x0;
	lr =	simm.s32 $0x1  }
0x2: {  	[smem:$0x3F9C] =	sst lr;
	_ =	strace $0xD0000000  }
0x3: {  	_ = 	snop  }
0x4: {  	_ = 	snop  }
0x5: {  	_ = 	snop  }
0x6: {  	_ = 	snop  }
0x7: {  	_ = 	snop  }
__scs_overlays_trampoline_lowered:
0x8: {  	[smem:$0x3FAB] =	sst s0  }
0x9: {  	[smem:$0x3FAC] =	sst s1  }
0xa: {  	[smem:$0x3FAD] =	sst s2  }
0xb: {  	[smem:$0x3FAE] =	sst s3  }
0xc: {  	[smem:$0x3FAF] =	sst s4  }
0xd: {  	[smem:$0x3FB0] =	sst s5  }
0xe: {  	[smem:$0x3FB1] =	sst s6  }
0xf: {  	[smem:$0x3FB2] =	sst s7  }
0x10: {  	[smem:$0x3FB3] =	sst s8  }
0x11: {  	[smem:$0x3FB4] =	sst s9;
	s0 =	simm.s32 @!p0 $0x0  }
0x12: {  	s1 =	sld [smem:$0x3F9A];
	s0 =	simm.s32 @p0 $0x1  }
0x13: {  	[smem:$0x3FB5] =	sst s0;
	s0 =	simm.s32 @!p1 $0x0  }
0x14: {  	s2 =	sld [smem:$0x3F99];
	s0 =	simm.s32 @p1 $0x1  }
0x15: {  	[smem:$0x3FB6] =	sst s0;
	s0 =	simm.s32 @!p2 $0x0  }
0x16: {  	s3 =	sld [smem:$0x3FDB];
	s0 =	simm.s32 @p2 $0x1  }
0x17: {  	s4 =	simm.s32 $0x1BF5;
	[smem:$0x3FB8] =	sst s0  }
0x18: {  	s0 =	sld [smem:$0x3F9B];
	_ =	swait.ge [sflag:s4], $0x0  }
0x19: {  	s7 =	sld [smem:$0x3F9C]  }
0x1a: {  	s8 =	sadd.s32 $0xFFFFE003, lr  }
0x1b: {  	s9 =	sadd.s32 $0xFFFFFEF7, lr;
	s5 =	simm.s32 $0xFFFFFFFF;
	p2 =	slt.u32 s8, $0xFFFFF086  }
0x1c: {  	p1 =	slt.u32 s9, $0xF7A;
	s5 =	simm.s32 @!p2 $0x0  }
0x1d: {  	s5 =	simm.s32 @p1 $0x1;
	p0 =	seq.s32 s7, s2  }
0x1e: {  	s7 =	smul.u32 @!p0 $0xF7A, s2;
	p2 =	seq.s32 @!p0 s5, $0x0  }
0x1f: {  	s9 =	smul.u32 $0xF7A, s1;
	s8 =	simm.s32 @!p0 $0x1BF5;
	p2 =	por !p2, p0  }
0x20: {  	[sflag:s8] =	ssyncset.s32 @!p0 $0xFFFFF086;
	s6 =	sadd.s32 @!p0 s3, s7;
	s7 =	simm.s32 @!p0 $0x108  }
0x21: {  	s3 =	sadd.s32 s3, s9;
	s6 =	sadd.s32 @!p0 $0x88, s6;
	s7 =	simm.s32 @p2 $0x1082  }
0x22: {  	[simem:s7], [sflag:s8] =	dma.local @!p0 [hbm:s6], $0xF7A  }
0x23: {  	s9 =	sor.u32 $0xD0000000, s2;
	s6 =	simm.s32 $0x108;
	_ =	swait.ge @!p0 [sflag:s8], $0x0  }
0x24: {  	s3 =	sadd.s32 $0x88, s3;
	s6 =	simm.s32 @!p1 $0x1082;
	[sflag:s4] =	ssyncset.s32 $0xFFFFF086  }
0x25: {  	[simem:s6], [sflag:s4] =	dma.local [hbm:s3], $0xF7A  }
0x26: {  	[smem:$0x3F9C] =	sst s1;
	(tag) =	ssettag s2;
	_ =	strace s9  }
0x27: {  	s1 =	sld [smem:$0x3FAC]  }
0x28: {  	s2 =	sld [smem:$0x3FAD]  }
0x29: {  	s4 =	sld [smem:$0x3FAF]  }
0x2a: {  	p0 =	seq.s32 s5, $0x0;
	s5 =	sld [smem:$0x3FB0]  }
0x2b: {  	s6 =	sld [smem:$0x3FB1]  }
0x2c: {  	s7 =	sld [smem:$0x3FB2]  }
0x2d: {  	s3 =	simm.s32 $0x108;
	s8 =	sld [smem:$0x3FB3]  }
0x2e: {  	s3 =	simm.s32 @!p0 $0x1082;
	s9 =	sld [smem:$0x3FB4]  }
0x2f: {  	lr =	sadd.s32 s0, s3;
	s0 =	sld [smem:$0x3FAB]  }
0x30: {  	s3 =	sld [smem:$0x3FAE]  }
0x31: {  	[smem:$0x3FB7] =	sst s10  }
0x32: {  	s10 =	sld [smem:$0x3FB5];
	_ =	sdelay $0x3  }
0x33: {  	p0 =	seq.s32 s10, $0x1;
	s10 =	sld [smem:$0x3FB7];
	_ =	sdelay $0x3  }
0x34: {  	[smem:$0x3FB7] =	sst s10  }
0x35: {  	s10 =	sld [smem:$0x3FB6];
	_ =	sdelay $0x3  }
0x36: {  	p1 =	seq.s32 s10, $0x1;
	s10 =	sld [smem:$0x3FB7];
	_ =	sdelay $0x3  }
0x37: {  	[smem:$0x3FB7] =	sst s10  }
0x38: {  	s10 =	sld [smem:$0x3FB8]  }
0x39: {  	_ = 	snop;
	(pc) =	sbr.ind lr, $3  }
0x3a: {  	_ = 	snop  }
0x3b: {  	_ = 	snop  }
0x3c: {  	p2 =	seq.s32 s10, $0x1;
	s10 =	sld [smem:$0x3FB7]  }
0x3d: {  	_ =	shalt  }
0x3e: {  	_ =	shalt  }
0x3f: {  	_ =	shalt  }
0x40: {  	_ =	shalt  }
0x41: {  	_ =	shalt  }
0x42: {  	_ =	shalt  }
0x43: {  	_ =	shalt  }
0x44: {  	_ =	shalt  }
0x45: {  	_ =	shalt  }
0x46: {  	_ =	shalt  }
0x47: {  	_ =	shalt  }
0x48: {  	_ =	shalt  }
0x49: {  	_ =	shalt  }
0x4a: {  	_ =	shalt  }
0x4b: {  	_ =	shalt  }
0x4c: {  	_ =	shalt  }
0x4d: {  	_ =	shalt  }
0x4e: {  	_ =	shalt  }
0x4f: {  	_ =	shalt  }
0x50: {  	_ =	shalt  }
0x51: {  	_ =	shalt  }
0x52: {  	_ =	shalt  }
0x53: {  	_ =	shalt  }
0x54: {  	_ =	shalt  }
0x55: {  	_ =	shalt  }
0x56: {  	_ =	shalt  }
0x57: {  	_ =	shalt  }
0x58: {  	_ =	shalt  }
0x59: {  	_ =	shalt  }
0x5a: {  	_ =	shalt  }
0x5b: {  	_ =	shalt  }
0x5c: {  	_ =	shalt  }
0x5d: {  	_ =	shalt  }
0x5e: {  	_ =	shalt  }
0x5f: {  	_ =	shalt  }
0x60: {  	_ =	shalt  }
0x61: {  	_ =	shalt  }
0x62: {  	_ =	shalt  }
0x63: {  	_ =	shalt  }
0x64: {  	_ =	shalt  }
0x65: {  	_ =	shalt  }
0x66: {  	_ =	shalt  }
0x67: {  	_ =	shalt  }
0x68: {  	_ =	shalt  }
0x69: {  	_ =	shalt  }
0x6a: {  	_ =	shalt  }
0x6b: {  	_ =	shalt  }
0x6c: {  	_ =	shalt  }
0x6d: {  	_ =	shalt  }
0x6e: {  	_ =	shalt  }
0x6f: {  	_ =	shalt  }
0x70: {  	_ =	shalt  }
0x71: {  	_ =	shalt  }
0x72: {  	_ =	shalt  }
0x73: {  	_ =	shalt  }
0x74: {  	_ =	shalt  }
0x75: {  	_ =	shalt  }
0x76: {  	_ =	shalt  }
0x77: {  	_ =	shalt  }
0x78: {  	_ =	shalt  }
0x79: {  	_ =	shalt  }
0x7a: {  	_ =	shalt  }
0x7b: {  	_ =	shalt  }
0x7c: {  	_ =	shalt  }
0x7d: {  	_ =	shalt  }
0x7e: {  	_ =	shalt  }
0x7f: {  	_ =	shalt  }
0x80: {  	_ =	shalt  }
0x81: {  	_ =	shalt  }
0x82: {  	_ =	shalt  }
0x83: {  	_ =	shalt  }
0x84: {  	_ =	shalt  }
0x85: {  	_ =	shalt  }
0x86: {  	_ =	shalt  }
0x87: {  	_ =	shalt  }
.Lfunc_end0:
.L_simem_size_0:
called_computation_lowered:
.L_overlay_start_0:
0x88: {  	s2 =	sld [smem:$0x3FD9]  }
0x89: {  	s3 =	sld [smem:$0x3FFE];
	_ =	sdelay $0x1  }
0x8a: {  	s1 =	srdreg.scid  }
0x8b: {  	s0 =	sand.u32 $0x1, s1  }
0x8c: {  	s16 =	sshll.u32 s0, $0xA;
	s2 =	sadd.s32 s3, s2  }
0x8d: {  	s2 =	sadd.s32 s2, s16  }
0x8e: {  	[smem:$0x3FC3] =	sst s2  }
0x8f: {  	_ = 	snop  }
0x90: {  	(tm) =	ssettm $0x1  }
0x91: {  	s17 =	sld [smem:$0x3FFB];
	_ =	sdelay $0x3  }
0x92: {  	_ =	strace s17  }
0x93: {  	s2 =	sld [smem:$0x3FFC];
	_ =	sdelay $0x3  }
0x94: {  	_ =	strace s2  }
0x95: {  	s2 =	sld [smem:$0x3FFD];
	_ =	sdelay $0x3  }
0x96: {  	_ =	strace s2  }
0x97: {  	_ =	strace $0x8FFFFFFF  }
0x98: {  	s18 =	sld [smem:$0x3FDB];
	_ =	sdelay $0x1  }
0x99: {  	s19 =	simm.s32 $_scs_section_size  }
0x9a: {  	s4 =	simm.s32 $_size__tile_overlayer_lowered;
	s5 =	simm.s32 $_tile_overlayer_lowered  }
0x9b: {  	s22 =	simm.s32 $0x1BFF;
	s21 =	sshll.u32 s5, $0x1;
	s2 =	sadd.s32 s19, s18  }
0x9c: {  	s6 =	simm.s32 $0x0;
	s20 =	sshll.u32 s4, $0x1;
	s4 =	sadd.s32 s21, s2  }
0x9d: {  	[timem:s6], [sflag:s22] =	dma.local [hbm:s4], s20  }
0x9e: {  	_ =	swait.ge [sflag:s22], s20  }
0x9f: {  	s3 =	ssub.s32 $0x0, s20;
	[sflag:s22] =	ssyncset.done $0x0  }
0xa0: {  	[sflag:s22] =	ssyncadd.s32 s3;
	_ =	sdelay $0x1  }
0xa1: {  	s23 =	simm.s32 $0x1B8B  }
0xa2: {  	_ =	swait.ge [sflag:s23], $0x1  }
0xa3: {  	[sflag:s23] =	ssyncset.done $0x0  }
0xa4: {  	s25 =	simm.s32 $0x1B8E;
	s24 =	sld [smem:$0x3FFE];
	[sflag:s23] =	ssyncadd.s32 $0xFFFFFFFF  }
0xa5: {  	s26 =	simm.s32 $execute0_lowered;
	[smem:$0x3FD2] =	sst s25  }
0xa6: {  	s4 =	sshll.u32 s26, $0x1;
	_ =	strace $0x80000046;
	[dreg:$0x1] =	wrdreg $0xFFFFFFFF  }
0xa7: {  	s28 =	simm.s32 $_size_execute0_lowered;
	s2 =	sadd.s32 s2, s4;
	[dreg:$0x0] =	wrdreg $0x0  }
0xa8: {  	s4 =	sshll.u32 s28, $0x1;
	[dreg:$0x2] =	wrdreg s2  }
0xa9: {  	[dreg:$0x3] =	wrdreg s4  }
0xaa: {  	[dreg:$0x4] =	wrdreg $0xC0  }
0xab: {  	_ =	task [dreg:s6], $0x5FFFF  }
0xac: {  	[dreg:$0x1] =	wrdreg $0xFFFFFFFF  }
0xad: {  	[dreg:$0x0] =	wrdreg $0x60  }
0xae: {  	[dreg:$0x2] =	wrdreg s24  }
0xaf: {  	[dreg:$0x3] =	wrdreg $0x9  }
0xb0: {  	_ =	task.clear_ibuf [dreg:s6], $0x4FFFF;
	_ =	strace $0x90000046  }
0xb1: {  	s29 =	simm.s32 $0x9;
	_ =	strace $0x80000048  }
0xb2: {  	_ =	swait.ge [sflag:s29], $0x1  }
0xb3: {  	[sflag:s29] =	ssyncadd.s32 $0xFFFFFFFF  }
0xb4: {  	_ =	strace $0x90000048  }
0xb5: {  	_ =	sfence  }
0xb6: {  	s30 =	sld [smem:$0x0];
	_ =	sdelay $0x2  }
0xb7: {  	s31 =	sshll.u32 s1, $0xD;
	s1 =	sshrl.u32 s1, $0x2  }
0xb8: {  	s3 =	sand.u32 $0x4000, s31;
	s1 =	sadd.s32 s1, s30  }
0xb9: {  	s0 =	sor.u32 s3, s0;
	s1 =	sshll.u32 s1, $0x11  }
0xba: {  	s0 =	sor.u32 s1, s0  }
0xbb: {  	s0 =	sadd.s32 $0x8F2B, s0  }
0xbc: {  	[sflag:s0] =	ssyncadd.remote.s32 $0x1  }
0xbd: {  	_ =	sfence.sel $0xFFFF  }
0xbe: {  	[dreg:$0x0] =	wrdreg $0xFFFFFFFF;
	(pc) =	sbr.abs _section_cstart, $3  }
0xbf: {  	[dreg:$0x1] =	wrdreg $0xFFFFFFFF  }
0xc0: {  	_ =	task.clear_ibuf [dreg:s6], $0x2FFFF;
	_ =	strace $0x9FFFFFFF  }
0xc1: {  	(tm) =	ssettm $0x7FFFFFFF  }
tec
execute0_lowered:
.L_overlay_start_1:
0x0: {  	(tag) =	ssettag $0x1  }
0x1: {  	s7 =	rddreg [dreg:$0x0]  }
0x2: {  	s0 =	rddreg [dreg:$0x1];
	_ =	strace $0x80000047  }
0x3: {  	s1 =	srdreg.scid;
	s4 =	simm.s32 $0x1;
	s9 =	simm.s32 $0x3  }
0x4: {  	s11 =	simm.s32 $0x0;
	p0 =	por $0x0, $0x0;
	s5 =	sshll.u32 s1, $0x4  }
.Ltmp0:
0x5: {  	s1 =	stileid.u32;
	s5 =	sand.u32 $0x10, s5;
	(pc) =	sbr.rel .LBB2_1-.Ltmp0, $4  }
0x6: {  	s2 =	sadd.s32 $0x88400, s7;
	s3 =	sadd.s32 $0x400, s7;
	s6 =	sor.u32 s1, s5  }
0x7: {  	[sflag:s4] =	ssyncpa.u1 $0x0;
	s5 =	simm.s32 $0x2;
	s6 =	sshll.u32 s6, $0x7  }
0x8: {  	s7 =	sadd.s32 $0x148400, s7;
	[sflag:s5] =	ssyncpa.u1 $0x0;
	s8 =	sadd.s32 $0x80, s6  }
0x9: {  	vm0 =	vmmov $0xff;
	vm1 =	vcmask $0x3F20;
	[sflag:s9] =	ssyncpa.u1 $0x0;
	s10 =	smov.u32 s6;
	s9 =	simm.s32 $0x0  }
.LBB2_9:
0xa: {  	p1 =	slt.u32 s9, $0x2;
	s11 =	sadd.s32 $0x20, s10  }
0xb: {  	s13 =	smov.u32 s6;
	s9 =	sadd.s32 $0x1, s9;
	p2 =	slt.s32 s11, s8  }
0xc: {  	s13 =	smov.u32 @p2 s11;
	p2 =	sne.s32 s9, $0x6  }
.Ltmp1:
0xd: {  	_ = 	snop;
	(pc) =	sbr.rel @!p2 .LBB2_10-.Ltmp1, $4  }
0xe: {  	s12 =	simm.s32 @!p1 $0x3  }
0xf: {  	_ =	swait.ge @!p1 [sflag:s12], $0x8000  }
0x10: {  	p0 =	por !p0, !p0;
	[sflag:s12] =	ssyncset.done @!p1 $0x0  }
0x11: {  	s11 =	smov.u32 s10;
	s10 =	smov.u32 s13;
	[sflag:s12] =	ssyncadd.s32 @!p1 $0xFFFF8000  }
.LBB2_1:
0x12: {  	p1 =	sgt.u32 s9, $0x3  }
0x13: {  	s12 =	sxor.u32 @!p1 $0xFFFFFFFF, s9  }
0x14: {  	s13 =	sshrl.u32 @!p1 s10, $0x3;
	s12 =	sshll.u32 @!p1 s12, $0x5  }
0x15: {  	s14 =	sand.u32 @!p1 $0x7, s10;
	s13 =	sadd.s32 @!p1 s3, s13;
	s12 =	sand.u32 @!p1 $0x20, s12  }
0x16: {  	[tilespmem:s12], [sflag:$0x2] =	stream.linear.gather @!p1 [hbm4b:s13+s14], $0x20, $0x38;
	[tilespmem:$0x10040] =	vst v63  }
0x17: {  	p1 =	seq.s32 s9, $0x0  }
0x18: {  	p2 =	seq.s32 @!p1 s9, $0x5  }
0x19: {  	p1 =	por p1, p2  }
.Ltmp2:
0x1a: {  	_ = 	snop;
	(pc) =	sbr.rel @p1 .LBB2_9-.Ltmp2, $1  }
0x1b: {  	_ =	sdelay $0x3  }
0x1c: {  	s12 =	simm.s32 $0x1  }
0x1d: {  	_ =	swait.ge [sflag:s5], $0x20;
	s13 =	sand.u32 $0x1, s9;
	s12 =	simm.s32 @!p0 $0x0  }
0x1e: {  	s15 =	simm.s32 $0x0;
	p2 =	por $0x1, $0x1;
	s12 =	sshll.u32 s12, $0x11  }
0x1f: {  	[sflag:s5] =	ssyncset.done $0x0;
	s13 =	sshll.u32 s13, $0x5;
	s14 =	sshrl.u32 s12, $0x2  }
0x20: {  	[sflag:s5] =	ssyncadd.s32 $0xFFFFFFE0;
	s12 =	sor.u32 $0x40, s14;
	s14 =	sadd.s32 $0x40, s14  }
.LBB2_3:
0x21: {  	s16 =	sshll.u32 s15, $0x4  }
0x22: {  	s16 =	sand.u32 $0x3FFFFFF0, s16  }
0x23: {  	s16 =	sadd.s32 s16, s13  }
0x24: {  	v0 =	vld.msk [tilespmem:s16+$0x0 ss:$0x1], $0xffff;
	_ =	sdelay $0x4  }
0x25: {  	vm2 =	vgt.s32 v0, $0x0  }
0x26: {  	v0 =	vnsel vm2, $0x0, v0  }
0x27: {  	v0 =	vmin.u32 v0, $0x17FF  }
0x28: {  	v1 =	vshll.u32 v0, $0x7;
	v0 =	vshll.u32 v0, $0x4  }
0x29: {  	v1 =	vand.u32 $0xFFC00, v1;
	v0 =	vand.u32 $0x70, v0  }
0x2a: {  	v0 =	vor.u32 v0, v1  }
0x2b: {  	s31 =	sshll.u32 s15, $0x10  }
0x2c: {  	s15 =	sshra.s32 s31, $0x2  }
0x2d: {  	s15 =	sadd.s32 s15, s14  }
0x2e: {  	s17 =	sadd.s32 $0x0, s15  }
0x2f: {  	[tilespmem:s17], [sflag:$0x1] =	stream.indirect_vreg.gather [hbm:s2], $0x80, v0, vm0, $0x38;
	[tilespmem:$0x10040] =	vst v63  }
0x30: {  	p1 =	por p2, p2;
	s16 =	simm.s32 $0x1000;
	v1 =	vadd.s32 $0x80, v0;
	s17 =	sadd.s32 $0x2000, s17  }
.LBB2_4:
0x31: {  	[tilespmem:s17], [sflag:$0x1] =	stream.indirect_vreg.gather [hbm:s2], $0x80, v0, vm1, $0x38;
	[tilespmem:$0x10040] =	vst v63  }
0x32: {  	v0 =	vmov v1;
	s17 =	smov.u32 s16;
	p2 =	sne.s32 s16, $0x7000  }
.Ltmp3:
0x33: {  	s16 =	sadd.s32 $0x1000, s16;
	(pc) =	sbr.rel @p2 .LBB2_4-.Ltmp3, $4  }
0x34: {  	s17 =	sshra.s32 s17, $0x2  }
0x35: {  	s17 =	sadd.s32 s17, s15  }
0x36: {  	[tilespmem:s17], [sflag:$0x1] =	stream.indirect_vreg.gather [hbm:s2], $0x80, v1, vm0, $0x38;
	[tilespmem:$0x10040] =	vst v63  }
0x37: {  	s17 =	sadd.s32 $0x2000, s17;
	v1 =	vadd.s32 $0x80, v1  }
0x38: {  	_ = 	snop  }
.Ltmp4:
0x39: {  	_ = 	snop;
	(pc) =	sbr.rel @p1 .LBB2_3-.Ltmp4, $3  }
0x3a: {  	_ =	sdelay $0x1  }
0x3b: {  	[tilespmem:s17], [sflag:$0x1] =	stream.indirect_vreg.gather [hbm:s2], $0x80, v0, vm1, $0x38;
	[tilespmem:$0x10040] =	vst v63  }
0x3c: {  	s15 =	simm.s32 $0x1;
	p2 =	por $0x0, $0x0  }
0x3d: {  	s13 =	sshll.u32 s11, $0x7  }
0x3e: {  	s31 =	sshll.u32 s11, $0x4;
	s13 =	sand.u32 $0xFFFFFC00, s13  }
0x3f: {  	_ =	swait.ge [sflag:s4], $0x8000;
	s11 =	sand.u32 $0x70, s31;
	s13 =	sadd.s32 s13, s7  }
0x40: {  	s14 =	sadd.s32 $0x2000, s12;
	[sflag:s4] =	ssyncset.done $0x0;
	s11 =	sadd.s32 s11, s13  }
0x41: {  	[sflag:s4] =	ssyncadd.s32 $0xFFFF8000;
	s13 =	simm.s32 $0x400;
	s15 =	sadd.s32 $0x0, s11  }
.LBB2_7:
0x42: {  	[hbm:s15] =	stream.linear.scatter [tilespmem:s12], [sflag:$0x3], $0x2000, $0x38;
	[tilespmem:$0x10040] =	vst v63  }
0x43: {  	s15 =	smov.u32 s13;
	s12 =	smov.u32 s14;
	p1 =	sne.s32 s13, $0xC00  }
.Ltmp5:
0x44: {  	s13 =	sadd.s32 $0x400, s13;
	(pc) =	sbr.rel @p1 .LBB2_7-.Ltmp5, $2  }
0x45: {  	_ =	sdelay $0x2  }
0x46: {  	s14 =	sadd.s32 $0x2000, s14;
	s15 =	sadd.s32 s15, s11  }
.Ltmp6:
0x47: {  	(pc) =	sbr.rel .LBB2_9-.Ltmp6, $2  }
0x48: {  	_ =	sdelay $0x2  }
0x49: {  	[hbm:s15] =	stream.linear.scatter [tilespmem:s12], [sflag:$0x3], $0x2000, $0x38;
	[tilespmem:$0x10040] =	vst v63  }
.LBB2_10:
0x4a: {  	_ =	sfence.sel $0x180000  }
0x4b: {  	s2 =	simm.s32 $0x2;
	[bflag:$0x0] =	sbarrier.arrive $0xFFFF  }
0x4c: {  	s30 =	simm.s32 $0x3;
	[sflag:s2] =	ssyncpa.u1 $0x1  }
0x4d: {  	s31 =	simm.s32 $0x1;
	[sflag:s30] =	ssyncpa.u1 $0x1  }
0x4e: {  	[sflag:s31] =	ssyncpa.u1 $0x1  }
0x4f: {  	p0 =	sne.s32 s1, $0x0;
	_ =	strace $0x90000047  }
0x50: {  	s0 =	sadd.s32 @!p0 $0x100000, s0;
	[bflag:$0x2] =	sbarrier.arrive $0xFFFF  }
0x51: {  	[sflag:s0] =	ssyncadd.tile.s32 @!p0 $0x1;
	_ =	shalt  }
.Lfunc_end2:
_tile_overlayer_lowered:
.L_overlay_start_2:
0x52: {  	(tag) =	ssettag $0x2  }
0x53: {  	s0 =	rddreg [dreg:$0x0];
	s2 =	stileid.u32  }
0x54: {  	s1 =	rddreg [dreg:$0x1];
	p0 =	sne.s32 s2, $0x0  }
0x55: {  	s3 =	rddreg [dreg:$0x2];
	[bflag:$0x3] =	sbarrier.arrive $0xFFFF;
	s2 =	simm.s32 @!p0 $0x1C01  }
0x56: {  	[timem:s3], [sflag:s2] =	dma.local @!p0 [hbm:s0], s1  }
0x57: {  	s0 =	simm.s32 @!p0 $0x1  }
0x58: {  	_ =	swait.ge @!p0 [sflag:s0], s1  }
0x59: {  	s1 =	ssub.s32 @!p0 $0x0, s1;
	[sflag:s0] =	ssyncset.done @!p0 $0x0  }
0x5a: {  	[sflag:s0] =	ssyncadd.s32 @!p0 s1  }
0x5b: {  	[bflag:$0x3] =	sbarrier.arrive $0xFFFF  }
0x5c: {  	_ =	shalt  }

</sc_bundles>
